<compile_context>
chip_gen: v7x
topology: tpu7x:2x2x1
jax: 0.10.2.dev20260603
libtpu: 0.0.44.dev20260713+nightly
codegen_flags: <defaults>
</compile_context>

<pallas_src>
import functools

import jax
import jax.numpy as jnp
import numpy as np
from jax import lax
from jax.experimental import pallas as pl
from jax.experimental.pallas import tpu as pltpu
from jax.experimental.pallas import tpu_sc as plsc

_CORRUPTION_RATE = 0.6

_NUM_CORES = 2
_NUM_SUBCORES = 16
_NW = _NUM_CORES * _NUM_SUBCORES


def _threefry_pair(k0, k1, x0, x1):
    old = np.seterr(over="ignore")
    try:
        x0 = x0.astype(np.uint32).copy()
        x1 = x1.astype(np.uint32).copy()
        ks = [
            np.uint32(k0),
            np.uint32(k1),
            np.uint32(np.uint32(k0) ^ np.uint32(k1) ^ np.uint32(0x1BD11BDA)),
        ]
        rot0 = (13, 15, 26, 6)
        rot1 = (17, 29, 16, 24)

        def rotl(x, r):
            return (x << np.uint32(r)) | (x >> np.uint32(32 - r))

        x0 += ks[0]
        x1 += ks[1]
        for i in range(5):
            for r in rot0 if i % 2 == 0 else rot1:
                x0 += x1
                x1 = rotl(x1, r)
                x1 ^= x0
            x0 += ks[(i + 1) % 3]
            x1 += ks[(i + 2) % 3] + np.uint32(i + 1)
        return x0, x1
    finally:
        np.seterr(**old)


def _np_uniform(k0, k1, n):
    hi = np.zeros(n, np.uint32)
    lo = np.arange(n, dtype=np.uint32)
    b1, b2 = _threefry_pair(k0, k1, hi, lo)
    bits = b1 ^ b2
    f = ((bits >> np.uint32(9)) | np.uint32(0x3F800000)).view(np.float32)
    return np.maximum(np.float32(0.0), f - np.float32(1.0))


@functools.lru_cache(maxsize=None)
def _flat_perm(B: int, S: int, F: int):
    N = B * S
    b1, b2 = _threefry_pair(
        np.uint32(0), np.uint32(42),
        np.zeros(2, np.uint32), np.arange(2, dtype=np.uint32))
    mask = _np_uniform(b1[0], b2[0], F) < _CORRUPTION_RATE
    u = _np_uniform(b1[1], b2[1], F * N).reshape(F, N)
    perm = np.argsort(u, axis=1, kind="stable").astype(np.int64)
    src = np.where(mask[:, None], perm, np.arange(N, dtype=np.int64)[None, :])
    g = (src.T * F + np.arange(F, dtype=np.int64)[None, :]).reshape(-1)
    return g.astype(np.int32)


@functools.lru_cache(maxsize=None)
def _build_sc_gather(total: int, chunk: int):
    per_w = total // _NW
    n_chunks = per_w // chunk
    mesh = plsc.VectorSubcoreMesh(core_axis_name="c", subcore_axis_name="s")

    @functools.partial(
        pl.kernel,
        mesh=mesh,
        out_type=jax.ShapeDtypeStruct((total,), jnp.float32),
        scratch_types=[
            pltpu.VMEM((chunk,), jnp.int32),
            pltpu.VMEM((chunk,), jnp.float32),
            pltpu.SemaphoreType.DMA,
        ],
    )
    def sc_gather(x_hbm, gidx_hbm, out_hbm, idx_v, val_v, sem):
        wid = lax.axis_index("s") * _NUM_CORES + lax.axis_index("c")
        base = wid * per_w

        def body(c, carry):
            off = base + c * chunk
            pltpu.sync_copy(gidx_hbm.at[pl.ds(off, chunk)], idx_v)
            pltpu.async_copy(x_hbm.at[idx_v], val_v, sem).wait()
            pltpu.sync_copy(val_v, out_hbm.at[pl.ds(off, chunk)])
            return carry

        lax.fori_loop(0, n_chunks, body, 0)

    return sc_gather


def kernel(x):
    B, S, F = x.shape
    M = B * S * F
    x1d = x.reshape(-1)
    gidx = _flat_perm(B, S, F)
    per_w = M // _NW
    chunk = 25600
    while per_w % chunk:
        chunk //= 2
    out = _build_sc_gather(M, chunk)(x1d, gidx)
    return out.reshape(B, S, F)

# --- scband reference (transcript-rebuilt; emitter-appended) ---
"""Pipeline reference for scband-scarfcorruption-39565238731499 (READ-ONLY COPY).

The authoritative reference and input builder live on the scoring server;
editing this copy changes nothing except your own understanding.
"""

import jax, jax.numpy as jnp
import numpy as np

CORRUPTION_RATE = 0.6

def setup_inputs(seed: int = 0) -> dict:
    key = jax.random.key(seed)
    x = jax.random.normal(key, (4096, 50, 128), dtype=jnp.float32)
    return {"x": x}

def reference(x):
    # SCARF corruption, strategy='random_swap', training mode.
    # For each feature selected by a Bernoulli(corruption_rate) mask, the
    # flattened (batch*seq) column of values is replaced by a random
    # permutation of itself (values swapped across samples).
    B, S, F = x.shape
    N = B * S
    key = jax.random.key(42)
    kmask, kperm = jax.random.split(key)
    # corruption_mask = torch.rand(num_features) < corruption_rate
    corruption_mask = jax.random.uniform(kmask, (F,)) < CORRUPTION_RATE
    x_flat = x.reshape(N, F)          # (N, F)
    x_cols = x_flat.T                 # (F, N): one row per feature column
    # Independent random permutation per feature via argsort of uniforms
    # (equivalent in distribution to torch.randperm per feature).
    u = jax.random.uniform(kperm, (F, N))
    perm = jnp.argsort(u, axis=1)     # (F, N) int32 permutations
    shuffled = jnp.take_along_axis(x_cols, perm, axis=1)  # gather per feature
    corrupted_cols = jnp.where(corruption_mask[:, None], shuffled, x_cols)
    return corrupted_cols.T.reshape(B, S, F)

if __name__ == "__main__":
    import jax
    _d = setup_inputs()
    print(jax.jit(kernel)(*tuple(_d.values())))

</pallas_src>

<mosaic_0001>
#map = affine_map<(d0, d1) -> (0)>
module attributes {stable_mosaic.version = 14 : i64} {
  func.func @sc_gather(%arg0: i32, %arg1: i32, %arg2: memref<26214400xf32, #tpu.memory_space<hbm>>, %arg3: memref<26214400xi32, #tpu.memory_space<hbm>>, %arg4: memref<26214400xf32, #tpu.memory_space<hbm>>, %arg5: memref<25600xi32, #tpu.memory_space<vmem>>, %arg6: memref<25600xf32, #tpu.memory_space<vmem>>, %arg7: memref<!tpu.dma_semaphore, #tpu.memory_space<semaphore_mem>>) attributes {dimension_semantics = [#tpu.dimension_semantics<core_parallel>, #tpu.dimension_semantics<subcore_parallel>], iteration_bounds = array<i64: 2, 16>, scalar_prefetch = 0 : i64, scratch_operands = 3 : i64, tpu.core_type = #tpu.core_type<sc_vector_subcore>, window_params = [{transform_indices = #map}, {transform_indices = #map}, {transform_indices = #map}]} {
    %mul3A = arith.constant 2 : i32
    %mul3A_0 = arith.muli %arg1, %mul3A : i32
    %add3A = arith.addi %mul3A_0, %arg0 : i32
    %mul3A_1 = arith.constant 819200 : i32
    %mul3A_2 = arith.muli %add3A, %mul3A_1 : i32
    %scan3A = arith.constant 0 : i32
    %scan3A_3 = arith.constant 0 : i32
    %scan3A_4 = arith.constant 32 : i32
    %scan3A_5 = arith.addi %scan3A_3, %scan3A_4 : i32
    %scan3A_6 = arith.constant 1 : i32
    scf.for %scan3A_8 = %scan3A_3 to %scan3A_5 step %scan3A_6  : i32 {
      %mul3A_9 = arith.constant 25600 : i32
      %mul3A_10 = arith.muli %scan3A_8, %mul3A_9 : i32
      %add3A_11 = arith.addi %mul3A_2, %mul3A_10 : i32
      "tpu.region"() ({
        %run_scoped3A = tpu.sem_alloc : memref<!tpu.dma_semaphore, #tpu.memory_space<semaphore_mem>>
        %dma_start3A_14 = tpu.memref_slice %arg3[%add3A_11] : memref<26214400xi32, #tpu.memory_space<hbm>> -> memref<25600xi32, #tpu.memory_space<hbm>>
        %dma_start3A_15 = tpu.memref_slice %arg3[%add3A_11] : memref<26214400xi32, #tpu.memory_space<hbm>> -> memref<25600xi32, #tpu.memory_space<hbm>>
        tpu.enqueue_dma source(%dma_start3A_15 : memref<25600xi32, #tpu.memory_space<hbm>>) target(%arg5 : memref<25600xi32, #tpu.memory_space<vmem>>) target_semaphore(%run_scoped3A : memref<!tpu.dma_semaphore, #tpu.memory_space<semaphore_mem>>)
        %dma_wait3A_16 = tpu.memref_slice %arg3[%add3A_11] : memref<26214400xi32, #tpu.memory_space<hbm>> -> memref<25600xi32, #tpu.memory_space<hbm>>
        %dma_wait3A_17 = tpu.memref_slice %arg3[%add3A_11] : memref<26214400xi32, #tpu.memory_space<hbm>> -> memref<25600xi32, #tpu.memory_space<hbm>>
        tpu.wait_dma2 semaphore(%run_scoped3A : memref<!tpu.dma_semaphore, #tpu.memory_space<semaphore_mem>>) src(%dma_wait3A_17 : memref<25600xi32, #tpu.memory_space<hbm>>) dst(%arg5 : memref<25600xi32, #tpu.memory_space<vmem>>)
        tpu.yield
      }) : () -> ()
      %dma_start3A = arith.constant 0 : i32
      %dma_start3A_12 = tpu.memref_slice %arg2[%dma_start3A] : memref<26214400xf32, #tpu.memory_space<hbm>> -> memref<26214400xf32, #tpu.memory_space<hbm>>
      tpu.enqueue_indirect_dma source(%dma_start3A_12 : memref<26214400xf32, #tpu.memory_space<hbm>>) target(%arg6 : memref<25600xf32, #tpu.memory_space<vmem>>) offsets(%arg5 : memref<25600xi32, #tpu.memory_space<vmem>>) semaphore(%arg7 : memref<!tpu.dma_semaphore, #tpu.memory_space<semaphore_mem>>)
      %dma_wait3A = arith.constant 0 : i32
      %dma_wait3A_13 = tpu.memref_slice %arg2[%dma_wait3A] : memref<26214400xf32, #tpu.memory_space<hbm>> -> memref<26214400xf32, #tpu.memory_space<hbm>>
      tpu.wait_indirect_dma semaphore(%arg7 : memref<!tpu.dma_semaphore, #tpu.memory_space<semaphore_mem>>) src(%dma_wait3A_13 : memref<26214400xf32, #tpu.memory_space<hbm>>) dst(%arg6 : memref<25600xf32, #tpu.memory_space<vmem>>)
      "tpu.region"() ({
        %run_scoped3A = tpu.sem_alloc : memref<!tpu.dma_semaphore, #tpu.memory_space<semaphore_mem>>
        %dma_start3A_14 = tpu.memref_slice %arg4[%add3A_11] : memref<26214400xf32, #tpu.memory_space<hbm>> -> memref<25600xf32, #tpu.memory_space<hbm>>
        %dma_start3A_15 = tpu.memref_slice %arg4[%add3A_11] : memref<26214400xf32, #tpu.memory_space<hbm>> -> memref<25600xf32, #tpu.memory_space<hbm>>
        tpu.enqueue_dma source(%arg6 : memref<25600xf32, #tpu.memory_space<vmem>>) target(%dma_start3A_15 : memref<25600xf32, #tpu.memory_space<hbm>>) target_semaphore(%run_scoped3A : memref<!tpu.dma_semaphore, #tpu.memory_space<semaphore_mem>>)
        %dma_wait3A_16 = tpu.memref_slice %arg4[%add3A_11] : memref<26214400xf32, #tpu.memory_space<hbm>> -> memref<25600xf32, #tpu.memory_space<hbm>>
        %dma_wait3A_17 = tpu.memref_slice %arg4[%add3A_11] : memref<26214400xf32, #tpu.memory_space<hbm>> -> memref<25600xf32, #tpu.memory_space<hbm>>
        tpu.wait_dma2 semaphore(%run_scoped3A : memref<!tpu.dma_semaphore, #tpu.memory_space<semaphore_mem>>) src(%arg6 : memref<25600xf32, #tpu.memory_space<vmem>>) dst(%dma_wait3A_17 : memref<25600xf32, #tpu.memory_space<hbm>>)
        tpu.yield
      }) : () -> ()
    }
    %scan3A_7 = arith.constant 32 : i32
    return
  }
}

</mosaic_0001>

<sc_bundles>
// kernel: kernel.3.cloned.1.call-start
scs
__scs_entry_jumppad:
0x0: {  	(pc) =	sbr.rel $0x88, $3  }
0x1: {  	(tag) =	ssettag $0x0;
	lr =	simm.s32 $0x1  }
0x2: {  	[smem:$0x3FA0] =	sst lr;
	_ =	strace $0xD0000000  }
0x3: {  	_ = 	snop  }
0x4: {  	_ = 	snop  }
0x5: {  	_ = 	snop  }
0x6: {  	_ = 	snop  }
0x7: {  	_ = 	snop  }
__scs_overlays_trampoline_lowered:
0x8: {  	[smem:$0x3FAF] =	sst s0  }
0x9: {  	[smem:$0x3FB0] =	sst s1  }
0xa: {  	[smem:$0x3FB1] =	sst s2  }
0xb: {  	[smem:$0x3FB2] =	sst s3  }
0xc: {  	[smem:$0x3FB3] =	sst s4  }
0xd: {  	[smem:$0x3FB4] =	sst s5  }
0xe: {  	[smem:$0x3FB5] =	sst s6  }
0xf: {  	[smem:$0x3FB6] =	sst s7  }
0x10: {  	[smem:$0x3FB7] =	sst s8  }
0x11: {  	[smem:$0x3FB8] =	sst s9;
	s0 =	simm.s32 @!p0 $0x0  }
0x12: {  	s1 =	sld [smem:$0x3F9E];
	s0 =	simm.s32 @p0 $0x1  }
0x13: {  	[smem:$0x3FB9] =	sst s0;
	s0 =	simm.s32 @!p1 $0x0  }
0x14: {  	s2 =	sld [smem:$0x3F9D];
	s0 =	simm.s32 @p1 $0x1  }
0x15: {  	[smem:$0x3FBA] =	sst s0;
	s0 =	simm.s32 @!p2 $0x0  }
0x16: {  	s3 =	sld [smem:$0x3FDB];
	s0 =	simm.s32 @p2 $0x1  }
0x17: {  	s4 =	simm.s32 $0x1BF5;
	[smem:$0x3FBC] =	sst s0  }
0x18: {  	s0 =	sld [smem:$0x3F9F];
	_ =	swait.ge [sflag:s4], $0x0  }
0x19: {  	s7 =	sld [smem:$0x3FA0]  }
0x1a: {  	s8 =	sadd.s32 $0xFFFFE003, lr  }
0x1b: {  	s9 =	sadd.s32 $0xFFFFFEF7, lr;
	s5 =	simm.s32 $0xFFFFFFFF;
	p2 =	slt.u32 s8, $0xFFFFF086  }
0x1c: {  	p1 =	slt.u32 s9, $0xF7A;
	s5 =	simm.s32 @!p2 $0x0  }
0x1d: {  	s5 =	simm.s32 @p1 $0x1;
	p0 =	seq.s32 s7, s2  }
0x1e: {  	s7 =	smul.u32 @!p0 $0xF7A, s2;
	p2 =	seq.s32 @!p0 s5, $0x0  }
0x1f: {  	s9 =	smul.u32 $0xF7A, s1;
	s8 =	simm.s32 @!p0 $0x1BF5;
	p2 =	por !p2, p0  }
0x20: {  	[sflag:s8] =	ssyncset.s32 @!p0 $0xFFFFF086;
	s6 =	sadd.s32 @!p0 s3, s7;
	s7 =	simm.s32 @!p0 $0x108  }
0x21: {  	s3 =	sadd.s32 s3, s9;
	s6 =	sadd.s32 @!p0 $0x88, s6;
	s7 =	simm.s32 @p2 $0x1082  }
0x22: {  	[simem:s7], [sflag:s8] =	dma.local @!p0 [hbm:s6], $0xF7A  }
0x23: {  	s9 =	sor.u32 $0xD0000000, s2;
	s6 =	simm.s32 $0x108;
	_ =	swait.ge @!p0 [sflag:s8], $0x0  }
0x24: {  	s3 =	sadd.s32 $0x88, s3;
	s6 =	simm.s32 @!p1 $0x1082;
	[sflag:s4] =	ssyncset.s32 $0xFFFFF086  }
0x25: {  	[simem:s6], [sflag:s4] =	dma.local [hbm:s3], $0xF7A  }
0x26: {  	[smem:$0x3FA0] =	sst s1;
	(tag) =	ssettag s2;
	_ =	strace s9  }
0x27: {  	s1 =	sld [smem:$0x3FB0]  }
0x28: {  	s2 =	sld [smem:$0x3FB1]  }
0x29: {  	s4 =	sld [smem:$0x3FB3]  }
0x2a: {  	p0 =	seq.s32 s5, $0x0;
	s5 =	sld [smem:$0x3FB4]  }
0x2b: {  	s6 =	sld [smem:$0x3FB5]  }
0x2c: {  	s7 =	sld [smem:$0x3FB6]  }
0x2d: {  	s3 =	simm.s32 $0x108;
	s8 =	sld [smem:$0x3FB7]  }
0x2e: {  	s3 =	simm.s32 @!p0 $0x1082;
	s9 =	sld [smem:$0x3FB8]  }
0x2f: {  	lr =	sadd.s32 s0, s3;
	s0 =	sld [smem:$0x3FAF]  }
0x30: {  	s3 =	sld [smem:$0x3FB2]  }
0x31: {  	[smem:$0x3FBB] =	sst s10  }
0x32: {  	s10 =	sld [smem:$0x3FB9];
	_ =	sdelay $0x3  }
0x33: {  	p0 =	seq.s32 s10, $0x1;
	s10 =	sld [smem:$0x3FBB];
	_ =	sdelay $0x3  }
0x34: {  	[smem:$0x3FBB] =	sst s10  }
0x35: {  	s10 =	sld [smem:$0x3FBA];
	_ =	sdelay $0x3  }
0x36: {  	p1 =	seq.s32 s10, $0x1;
	s10 =	sld [smem:$0x3FBB];
	_ =	sdelay $0x3  }
0x37: {  	[smem:$0x3FBB] =	sst s10  }
0x38: {  	s10 =	sld [smem:$0x3FBC]  }
0x39: {  	_ = 	snop;
	(pc) =	sbr.ind lr, $3  }
0x3a: {  	_ = 	snop  }
0x3b: {  	_ = 	snop  }
0x3c: {  	p2 =	seq.s32 s10, $0x1;
	s10 =	sld [smem:$0x3FBB]  }
0x3d: {  	_ =	shalt  }
0x3e: {  	_ =	shalt  }
0x3f: {  	_ =	shalt  }
0x40: {  	_ =	shalt  }
0x41: {  	_ =	shalt  }
0x42: {  	_ =	shalt  }
0x43: {  	_ =	shalt  }
0x44: {  	_ =	shalt  }
0x45: {  	_ =	shalt  }
0x46: {  	_ =	shalt  }
0x47: {  	_ =	shalt  }
0x48: {  	_ =	shalt  }
0x49: {  	_ =	shalt  }
0x4a: {  	_ =	shalt  }
0x4b: {  	_ =	shalt  }
0x4c: {  	_ =	shalt  }
0x4d: {  	_ =	shalt  }
0x4e: {  	_ =	shalt  }
0x4f: {  	_ =	shalt  }
0x50: {  	_ =	shalt  }
0x51: {  	_ =	shalt  }
0x52: {  	_ =	shalt  }
0x53: {  	_ =	shalt  }
0x54: {  	_ =	shalt  }
0x55: {  	_ =	shalt  }
0x56: {  	_ =	shalt  }
0x57: {  	_ =	shalt  }
0x58: {  	_ =	shalt  }
0x59: {  	_ =	shalt  }
0x5a: {  	_ =	shalt  }
0x5b: {  	_ =	shalt  }
0x5c: {  	_ =	shalt  }
0x5d: {  	_ =	shalt  }
0x5e: {  	_ =	shalt  }
0x5f: {  	_ =	shalt  }
0x60: {  	_ =	shalt  }
0x61: {  	_ =	shalt  }
0x62: {  	_ =	shalt  }
0x63: {  	_ =	shalt  }
0x64: {  	_ =	shalt  }
0x65: {  	_ =	shalt  }
0x66: {  	_ =	shalt  }
0x67: {  	_ =	shalt  }
0x68: {  	_ =	shalt  }
0x69: {  	_ =	shalt  }
0x6a: {  	_ =	shalt  }
0x6b: {  	_ =	shalt  }
0x6c: {  	_ =	shalt  }
0x6d: {  	_ =	shalt  }
0x6e: {  	_ =	shalt  }
0x6f: {  	_ =	shalt  }
0x70: {  	_ =	shalt  }
0x71: {  	_ =	shalt  }
0x72: {  	_ =	shalt  }
0x73: {  	_ =	shalt  }
0x74: {  	_ =	shalt  }
0x75: {  	_ =	shalt  }
0x76: {  	_ =	shalt  }
0x77: {  	_ =	shalt  }
0x78: {  	_ =	shalt  }
0x79: {  	_ =	shalt  }
0x7a: {  	_ =	shalt  }
0x7b: {  	_ =	shalt  }
0x7c: {  	_ =	shalt  }
0x7d: {  	_ =	shalt  }
0x7e: {  	_ =	shalt  }
0x7f: {  	_ =	shalt  }
0x80: {  	_ =	shalt  }
0x81: {  	_ =	shalt  }
0x82: {  	_ =	shalt  }
0x83: {  	_ =	shalt  }
0x84: {  	_ =	shalt  }
0x85: {  	_ =	shalt  }
0x86: {  	_ =	shalt  }
0x87: {  	_ =	shalt  }
.Lfunc_end0:
.L_simem_size_0:
called_computation.1_lowered:
.L_overlay_start_0:
0x88: {  	s2 =	sld [smem:$0x3FD9]  }
0x89: {  	s3 =	sld [smem:$0x3FFE];
	_ =	sdelay $0x1  }
0x8a: {  	s1 =	srdreg.scid  }
0x8b: {  	s0 =	sand.u32 $0x1, s1  }
0x8c: {  	s17 =	sshll.u32 s0, $0xA;
	s2 =	sadd.s32 s3, s2  }
0x8d: {  	s2 =	sadd.s32 s2, s17  }
0x8e: {  	[smem:$0x3FC7] =	sst s2  }
0x8f: {  	_ = 	snop  }
0x90: {  	s2 =	sld [smem:$0x3FD0];
	(tm) =	ssettm $0x1  }
0x91: {  	s18 =	sld [smem:$0x3FFB];
	_ =	sdelay $0x3  }
0x92: {  	_ =	strace s18  }
0x93: {  	s3 =	sld [smem:$0x3FFC];
	_ =	sdelay $0x3  }
0x94: {  	_ =	strace s3  }
0x95: {  	s3 =	sld [smem:$0x3FFD];
	_ =	sdelay $0x3  }
0x96: {  	_ =	strace s3  }
0x97: {  	_ =	strace $0x8FFFFFFF  }
0x98: {  	s19 =	sld [smem:$0x3FDB];
	_ =	sdelay $0x1  }
0x99: {  	s4 =	simm.s32 $_scs_section_size  }
0x9a: {  	s5 =	simm.s32 $_size__tile_overlayer_lowered;
	s6 =	simm.s32 $_tile_overlayer_lowered  }
0x9b: {  	s22 =	simm.s32 $0x1BFF;
	s21 =	sshll.u32 s6, $0x1;
	s3 =	sadd.s32 s4, s19  }
0x9c: {  	s7 =	simm.s32 $0x0;
	s20 =	sshll.u32 s5, $0x1;
	s5 =	sadd.s32 s21, s3  }
0x9d: {  	[timem:s7], [sflag:s22] =	dma.local [hbm:s5], s20  }
0x9e: {  	_ =	swait.ge [sflag:s22], s20  }
0x9f: {  	s4 =	ssub.s32 $0x0, s20;
	[sflag:s22] =	ssyncset.done $0x0  }
0xa0: {  	[sflag:s22] =	ssyncadd.s32 s4;
	_ =	sdelay $0x1  }
0xa1: {  	s23 =	simm.s32 $0x1B8B  }
0xa2: {  	_ =	swait.ge [sflag:s23], $0x1  }
0xa3: {  	[sflag:s23] =	ssyncset.done $0x0  }
0xa4: {  	s25 =	simm.s32 $0x1B8E;
	s24 =	sld [smem:$0x3FFE];
	[sflag:s23] =	ssyncadd.s32 $0xFFFFFFFF  }
0xa5: {  	s26 =	simm.s32 $execute0_lowered;
	[smem:$0x3FD2] =	sst s25  }
0xa6: {  	s5 =	sshll.u32 s26, $0x1;
	_ =	strace $0x80000046;
	[dreg:$0x1] =	wrdreg $0xFFFFFFFF  }
0xa7: {  	s28 =	simm.s32 $_size_execute0_lowered;
	s3 =	sadd.s32 s3, s5;
	[dreg:$0x0] =	wrdreg $0x0  }
0xa8: {  	s5 =	sshll.u32 s28, $0x1;
	[dreg:$0x2] =	wrdreg s3  }
0xa9: {  	[dreg:$0x3] =	wrdreg s5  }
0xaa: {  	[dreg:$0x4] =	wrdreg $0xC0  }
0xab: {  	_ =	task [dreg:s7], $0x5FFFF  }
0xac: {  	[dreg:$0x1] =	wrdreg $0xFFFFFFFF  }
0xad: {  	[dreg:$0x0] =	wrdreg $0x60  }
0xae: {  	[dreg:$0x2] =	wrdreg s2  }
0xaf: {  	[dreg:$0x3] =	wrdreg s24  }
0xb0: {  	[dreg:$0x4] =	wrdreg $0x9  }
0xb1: {  	_ =	task.clear_ibuf [dreg:s7], $0x5FFFF;
	_ =	strace $0x90000046  }
0xb2: {  	s29 =	simm.s32 $0x9;
	_ =	strace $0x80000048  }
0xb3: {  	_ =	swait.ge [sflag:s29], $0x1  }
0xb4: {  	[sflag:s29] =	ssyncadd.s32 $0xFFFFFFFF  }
0xb5: {  	_ =	strace $0x90000048  }
0xb6: {  	_ =	sfence  }
0xb7: {  	s30 =	sld [smem:$0x0];
	_ =	sdelay $0x2  }
0xb8: {  	s31 =	sshll.u32 s1, $0xD;
	s1 =	sshrl.u32 s1, $0x2  }
0xb9: {  	s3 =	sand.u32 $0x4000, s31;
	s1 =	sadd.s32 s1, s30  }
0xba: {  	s0 =	sor.u32 s3, s0;
	s1 =	sshll.u32 s1, $0x11  }
0xbb: {  	s0 =	sor.u32 s1, s0  }
0xbc: {  	s0 =	sadd.s32 $0x8F2B, s0  }
0xbd: {  	[sflag:s0] =	ssyncadd.remote.s32 $0x1  }
0xbe: {  	_ =	sfence.sel $0xFFFF  }
0xbf: {  	[dreg:$0x0] =	wrdreg $0xFFFFFFFF;
	(pc) =	sbr.abs _section_cstart, $3  }
0xc0: {  	[dreg:$0x1] =	wrdreg $0xFFFFFFFF  }
0xc1: {  	_ =	task.clear_ibuf [dreg:s7], $0x2FFFF;
	_ =	strace $0x9FFFFFFF  }
0xc2: {  	(tm) =	ssettm $0x7FFFFFFF  }
0xc3: {  	_ =	shalt  }
tec
execute0_lowered:
.L_overlay_start_1:
0x0: {  	(tag) =	ssettag $0x1  }
0x1: {  	s1 =	srdreg.scid  }
0x2: {  	s0 =	stileid.u32;
	s2 =	rddreg [dreg:$0x0]  }
0x3: {  	s5 =	rddreg [dreg:$0x1];
	s3 =	sand.u32 $0x1, s1;
	s4 =	smul.u32 $0x190000, s0  }
0x4: {  	s8 =	simm.s32 $0x6400;
	s9 =	simm.s32 $0x1;
	s6 =	smul.u32 $0xC8000, s3  }
0x5: {  	s10 =	simm.s32 $0x0;
	s1 =	rddreg [dreg:$0x2];
	s7 =	ssub.s32 $0x2, s3  }
0x6: {  	s3 =	simm.s32 $0x0;
	s30 =	sshrl.u32 s7, $0x1;
	s4 =	sadd.s32 s6, s4  }
0x7: {  	[smem:$0x7FF] =	sst s3;
	s6 =	ssub.s32 s7, s30;
	s4 =	sshrl.u32 s4, $0x3  }
0x8: {  	_ =	strace $0x80000047;
	s7 =	simm.s32 $0x2;
	s31 =	sadd.s32 s4, s5  }
0x9: {  	s4 =	smax.u32 s6, $0x1;
	s5 =	sadd.s32 $0x320800, s31;
	s6 =	sadd.s32 $0x800, s31  }
.LBB2_1:
0xa: {  	s11 =	sadd.s32 $0x0, s6  }
0xb: {  	[tilespmem:s3], [sflag:$0x2] =	stream.linear.gather [hbm4b:s11+s3], $0x6400, $0x38;
	[tilespmem:$0xC800] =	vst v63  }
0xc: {  	_ =	swait.ge [sflag:s7], $0x6400  }
0xd: {  	[sflag:s7] =	ssyncset.done $0x0  }
0xe: {  	[sflag:s7] =	ssyncadd.s32 $0xFFFF9C00  }
0xf: {  	[tilespmem:s8], [sflag:$0x1] =	stream.indirect.gather [hbm4b:s2+s8], $0x1, s3, s8, $0xb8;
	[tilespmem:$0xC800] =	vst v63  }
0x10: {  	_ =	swait.ge [sflag:s9], $0x6400  }
0x11: {  	[sflag:s9] =	ssyncset.done $0x0  }
0x12: {  	s31 =	sadd.s32 $0x0, s5;
	[sflag:s9] =	ssyncadd.s32 $0xFFFF9C00  }
0x13: {  	[hbm4b:s31+s3] =	stream.linear.scatter [tilespmem:s8], [sflag:$0x2], $0x6400, $0x38;
	[tilespmem:$0xC800] =	vst v63  }
0x14: {  	_ =	swait.ge [sflag:s7], $0x6400  }
0x15: {  	s12 =	simm.s32 $0x1900;
	s11 =	simm.s32 $0xC80;
	[sflag:s7] =	ssyncset.done $0x0  }
.LBB2_2:
0x16: {  	s13 =	sadd.s32 s11, s6  }
0x17: {  	[sflag:s7] =	ssyncadd.s32 $0xFFFF9C00;
	s14 =	smov.u32 s12;
	s15 =	sadd.s32 $0xC80, s12  }
0x18: {  	[tilespmem:s3], [sflag:$0x2] =	stream.linear.gather [hbm4b:s13+s3], $0x6400, $0x38;
	[tilespmem:$0xC800] =	vst v63  }
0x19: {  	p0 =	sne.s32 s12, $0x18380;
	_ =	swait.ge [sflag:s7], $0x6400  }
0x1a: {  	[sflag:s7] =	ssyncset.done $0x0  }
0x1b: {  	[sflag:s7] =	ssyncadd.s32 $0xFFFF9C00  }
0x1c: {  	[tilespmem:s8], [sflag:$0x1] =	stream.indirect.gather [hbm4b:s2+s8], $0x1, s3, s8, $0xb8;
	[tilespmem:$0xC800] =	vst v63  }
0x1d: {  	_ =	swait.ge [sflag:s9], $0x6400  }
.Ltmp0:
0x1e: {  	[sflag:s9] =	ssyncset.done $0x0;
	(pc) =	sbr.rel @p0 .LBB2_2-.Ltmp0, $4  }
0x1f: {  	s12 =	sadd.s32 s11, s5;
	s11 =	smov.u32 s14;
	[sflag:s9] =	ssyncadd.s32 $0xFFFF9C00  }
0x20: {  	[hbm4b:s12+s3] =	stream.linear.scatter [tilespmem:s8], [sflag:$0x2], $0x6400, $0x38;
	[tilespmem:$0xC800] =	vst v63  }
0x21: {  	_ =	swait.ge [sflag:s7], $0x6400  }
0x22: {  	s12 =	smov.u32 s15;
	[sflag:s7] =	ssyncset.done $0x0  }
0x23: {  	s12 =	sadd.s32 s11, s6;
	[sflag:s7] =	ssyncadd.s32 $0xFFFF9C00  }
0x24: {  	[tilespmem:s3], [sflag:$0x2] =	stream.linear.gather [hbm4b:s12+s3], $0x6400, $0x38;
	[tilespmem:$0xC800] =	vst v63  }
0x25: {  	_ =	swait.ge [sflag:s7], $0x6400  }
0x26: {  	[sflag:s7] =	ssyncset.done $0x0  }
0x27: {  	[sflag:s7] =	ssyncadd.s32 $0xFFFF9C00  }
0x28: {  	[tilespmem:s8], [sflag:$0x1] =	stream.indirect.gather [hbm4b:s2+s8], $0x1, s3, s8, $0xb8;
	[tilespmem:$0xC800] =	vst v63  }
0x29: {  	s10 =	sadd.s32 $0x1, s10;
	_ =	swait.ge [sflag:s9], $0x6400  }
0x2a: {  	p0 =	sne.s32 s10, s4;
	[sflag:s9] =	ssyncset.done $0x0  }
.Ltmp1:
0x2b: {  	s31 =	sadd.s32 s11, s5;
	[sflag:s9] =	ssyncadd.s32 $0xFFFF9C00;
	(pc) =	sbr.rel @p0 .LBB2_1-.Ltmp1, $4  }
0x2c: {  	[hbm4b:s31+s3] =	stream.linear.scatter [tilespmem:s8], [sflag:$0x2], $0x6400, $0x38;
	[tilespmem:$0xC800] =	vst v63  }
0x2d: {  	_ =	swait.ge [sflag:s7], $0x6400  }
0x2e: {  	[sflag:s7] =	ssyncset.done $0x0  }
0x2f: {  	[sflag:s7] =	ssyncadd.s32 $0xFFFF9C00  }
0x30: {  	_ =	sfence.sel $0x180000  }
0x31: {  	[bflag:$0x0] =	sbarrier.arrive $0xFFFF  }
0x32: {  	p0 =	sne.s32 s0, $0x0;
	_ =	strace $0x90000047  }
0x33: {  	s0 =	sadd.s32 @!p0 $0x100000, s1;
	[bflag:$0x2] =	sbarrier.arrive $0xFFFF  }
0x34: {  	[sflag:s0] =	ssyncadd.tile.s32 @!p0 $0x1;
	_ =	shalt  }
.Lfunc_end2:
_tile_overlayer_lowered:
.L_overlay_start_2:
0x35: {  	(tag) =	ssettag $0x2  }
0x36: {  	s0 =	rddreg [dreg:$0x0];
	s2 =	stileid.u32  }
0x37: {  	s1 =	rddreg [dreg:$0x1];
	p0 =	sne.s32 s2, $0x0  }
0x38: {  	s3 =	rddreg [dreg:$0x2];
	[bflag:$0x3] =	sbarrier.arrive $0xFFFF;
	s2 =	simm.s32 @!p0 $0x1C02  }
0x39: {  	[timem:s3], [sflag:s2] =	dma.local @!p0 [hbm:s0], s1  }
0x3a: {  	s0 =	simm.s32 @!p0 $0x2  }
0x3b: {  	_ =	swait.ge @!p0 [sflag:s0], s1  }
0x3c: {  	s1 =	ssub.s32 @!p0 $0x0, s1;
	[sflag:s0] =	ssyncset.done @!p0 $0x0  }
0x3d: {  	[sflag:s0] =	ssyncadd.s32 @!p0 s1  }
0x3e: {  	[bflag:$0x3] =	sbarrier.arrive $0xFFFF  }
0x3f: {  	_ =	shalt  }

// kernel: sparse-core-data-format-call.cloned.1.call-start
scs
called_computation_lowered:
.L_overlay_start_0:
0x0: {  	s2 =	sld [smem:$0x3FD9]  }
0x1: {  	s3 =	sld [smem:$0x3FFE];
	_ =	sdelay $0x1  }
0x2: {  	s1 =	srdreg.scid  }
0x3: {  	s0 =	sand.u32 $0x1, s1  }
0x4: {  	s18 =	sshll.u32 s0, $0xA;
	s2 =	sadd.s32 s3, s2  }
0x5: {  	s2 =	sadd.s32 s2, s18  }
0x6: {  	[smem:$0x3FC7] =	sst s2  }
0x7: {  	_ = 	snop  }
0x8: {  	s2 =	sld [smem:$0x3FD0];
	(tm) =	ssettm $0x1  }
0x9: {  	s19 =	sld [smem:$0x3FFB];
	_ =	sdelay $0x3  }
0xa: {  	_ =	strace s19  }
0xb: {  	s3 =	sld [smem:$0x3FFC];
	_ =	sdelay $0x3  }
0xc: {  	_ =	strace s3  }
0xd: {  	s3 =	sld [smem:$0x3FFD];
	_ =	sdelay $0x3  }
0xe: {  	_ =	strace s3  }
0xf: {  	_ =	strace $0x8FFFFFFF  }
0x10: {  	s20 =	sld [smem:$0x3FDB];
	_ =	sdelay $0x1  }
0x11: {  	s4 =	simm.s32 $_scs_section_size  }
0x12: {  	s5 =	simm.s32 $_size__tile_overlayer_lowered;
	s6 =	simm.s32 $_tile_overlayer_lowered  }
0x13: {  	s23 =	simm.s32 $0x1BFF;
	s22 =	sshll.u32 s6, $0x1;
	s3 =	sadd.s32 s4, s20  }
0x14: {  	s7 =	simm.s32 $0x0;
	s21 =	sshll.u32 s5, $0x1;
	s5 =	sadd.s32 s22, s3  }
0x15: {  	[timem:s7], [sflag:s23] =	dma.local [hbm:s5], s21  }
0x16: {  	_ =	swait.ge [sflag:s23], s21  }
0x17: {  	s4 =	ssub.s32 $0x0, s21;
	[sflag:s23] =	ssyncset.done $0x0  }
0x18: {  	[sflag:s23] =	ssyncadd.s32 s4;
	_ =	sdelay $0x1  }
0x19: {  	s24 =	simm.s32 $0x1B8B  }
0x1a: {  	_ =	swait.ge [sflag:s24], $0x1  }
0x1b: {  	[sflag:s24] =	ssyncset.done $0x0  }
0x1c: {  	s26 =	simm.s32 $0x1B8E;
	s25 =	sld [smem:$0x3FFE];
	[sflag:s24] =	ssyncadd.s32 $0xFFFFFFFF  }
0x1d: {  	s27 =	simm.s32 $execute0_lowered;
	[smem:$0x3FD2] =	sst s26  }
0x1e: {  	s5 =	sshll.u32 s27, $0x1;
	_ =	strace $0x80000049;
	[dreg:$0x1] =	wrdreg $0xFFFFFFFF  }
0x1f: {  	s28 =	simm.s32 $_size_execute0_lowered;
	s3 =	sadd.s32 s3, s5;
	[dreg:$0x0] =	wrdreg $0x0  }
0x20: {  	s5 =	sshll.u32 s28, $0x1;
	[dreg:$0x2] =	wrdreg s3  }
0x21: {  	[dreg:$0x3] =	wrdreg s5  }
0x22: {  	[dreg:$0x4] =	wrdreg $0xC0  }
0x23: {  	_ =	task [dreg:s7], $0x5FFFF  }
0x24: {  	[dreg:$0x1] =	wrdreg $0xFFFFFFFF  }
0x25: {  	[dreg:$0x0] =	wrdreg $0x60  }
0x26: {  	[dreg:$0x2] =	wrdreg s25  }
0x27: {  	[dreg:$0x3] =	wrdreg s2  }
0x28: {  	[dreg:$0x4] =	wrdreg $0x9  }
0x29: {  	_ =	task.clear_ibuf [dreg:s7], $0x5FFFF;
	_ =	strace $0x90000049  }
0x2a: {  	s29 =	simm.s32 $0x9;
	_ =	strace $0x8000004B  }
0x2b: {  	_ =	swait.ge [sflag:s29], $0x1  }
0x2c: {  	[sflag:s29] =	ssyncadd.s32 $0xFFFFFFFF  }
0x2d: {  	_ =	strace $0x9000004B  }
0x2e: {  	_ =	sfence  }
0x2f: {  	s30 =	sld [smem:$0x0];
	_ =	sdelay $0x2  }
0x30: {  	s31 =	sshll.u32 s1, $0xD;
	s1 =	sshrl.u32 s1, $0x2  }
0x31: {  	s3 =	sand.u32 $0x4000, s31;
	s1 =	sadd.s32 s1, s30  }
0x32: {  	s0 =	sor.u32 s3, s0;
	s1 =	sshll.u32 s1, $0x11  }
0x33: {  	s0 =	sor.u32 s1, s0  }
0x34: {  	s0 =	sadd.s32 $0x8F2B, s0  }
0x35: {  	[sflag:s0] =	ssyncadd.remote.s32 $0x1  }
0x36: {  	_ =	sfence.sel $0xFFFF  }
0x37: {  	[dreg:$0x0] =	wrdreg $0xFFFFFFFF;
	(pc) =	sbr.abs _section_cstart, $3  }
0x38: {  	[dreg:$0x1] =	wrdreg $0xFFFFFFFF  }
0x39: {  	_ =	task.clear_ibuf [dreg:s7], $0x2FFFF;
	_ =	strace $0x9FFFFFFF  }
0x3a: {  	(tm) =	ssettm $0x7FFFFFFF  }
0x3b: {  	_ =	shalt  }
tec
execute0_lowered:
.L_overlay_start_1:
0x0: {  	(tag) =	ssettag $0x1  }
0x1: {  	s0 =	srdreg.scid  }
0x2: {  	s1 =	sshll.u32 s0, $0x4  }
0x3: {  	s0 =	stileid.u32;
	s1 =	sand.u32 $0x10, s1  }
0x4: {  	s1 =	sor.u32 s0, s1  }
0x5: {  	s6 =	rddreg [dreg:$0x0];
	s4 =	simm.s32 $0x1;
	s2 =	sshll.u32 s1, $0x6  }
0x6: {  	s7 =	simm.s32 $0x2;
	s13 =	simm.s32 $0x0;
	s1 =	ssub.s32 $0x1000, s2  }
0x7: {  	s8 =	simm.s32 $0x2000;
	s9 =	simm.s32 $0x80000;
	s3 =	sand.u32 $0x7C0, s1  }
0x8: {  	s14 =	simm.s32 $0x0;
	s5 =	sshrl.u32 s1, $0xB;
	p0 =	sne.s32 s3, $0x0  }
.Ltmp0:
0x9: {  	s1 =	rddreg [dreg:$0x2];
	s4 =	simm.s32 @!p0 $0x0;
	(pc) =	sbr.rel .LBB1_1-.Ltmp0, $4  }
0xa: {  	s10 =	simm.s32 $0x0;
	s3 =	rddreg [dreg:$0x1];
	s5 =	sadd.s32 s4, s5  }
0xb: {  	_ =	strace $0x8000004A;
	s4 =	simm.s32 $0x1;
	s5 =	smul.u32 $0x19, s5  }
0xc: {  	s12 =	simm.s32 $0x0;
	s6 =	sadd.s32 $0x640800, s6;
	[sflag:s4] =	ssyncpa.u1 $0x0  }
0xd: {  	s11 =	smov.u32 s2;
	[sflag:s7] =	ssyncpa.u1 $0x0;
	s7 =	sadd.s32 $0x1, s5  }
.LBB1_7:
0xe: {  	s15 =	sadd.s32 $0x2, s10  }
0xf: {  	s13 =	sadd.s32 $0x800, s11;
	s17 =	smov.u32 s11;
	p1 =	sgt.s32 s15, $0x31  }
0x10: {  	s17 =	smov.u32 @p1 s13  }
0x11: {  	s15 =	simm.s32 @p1 $0x0;
	p1 =	sgt.s32 s17, $0xFFF  }
0x12: {  	s17 =	smov.u32 @p1 s2;
	p1 =	sne.s32 s12, s7  }
.Ltmp1:
0x13: {  	p0 =	slt.u32 s12, $0x2;
	(pc) =	sbr.rel @!p1 .LBB1_8-.Ltmp1, $4  }
0x14: {  	s16 =	simm.s32 @!p0 $0x2  }
0x15: {  	s14 =	smov.u32 s11;
	_ =	swait.ge @!p0 [sflag:s16], $0x4000  }
0x16: {  	s13 =	smov.u32 s10;
	[sflag:s16] =	ssyncset.done @!p0 $0x0;
	s10 =	smov.u32 s15  }
0x17: {  	s12 =	sadd.s32 $0x1, s12;
	[sflag:s16] =	ssyncadd.s32 @!p0 $0xFFFFC000;
	s11 =	smov.u32 s17  }
.LBB1_1:
0x18: {  	p0 =	sge.u32 s12, s5  }
0x19: {  	s15 =	sand.u32 @!p0 $0x1FFFFFF, s10  }
0x1a: {  	s16 =	smulhi.u32 @!p0 $0x4924925, s15;
	_ =	sdelay $0x1  }
0x1b: {  	s16 =	smul.u32 @!p0 $0x38, s16  }
0x1c: {  	s17 =	sxor.u32 @!p0 $0xFFFFFFFF, s12;
	s18 =	smul.u32 @!p0 $0x380, s11  }
0x1d: {  	s31 =	sadd.s32 $0xFFFFFFFF, s12;
	s17 =	sshll.u32 @!p0 s17, $0xE;
	s15 =	ssub.s32 @!p0 s15, s16  }
0x1e: {  	s16 =	sand.u32 @!p0 $0x4000, s17;
	s17 =	sadd.s32 @!p0 s6, s18;
	s15 =	sshll.u32 @!p0 s15, $0x4  }
0x1f: {  	s18 =	simm.s32 @!p0 $0x1C00;
	s15 =	sadd.s32 @!p0 s15, s17;
	s17 =	simm.s32 @!p0 $0x100  }
0x20: {  	[tilespmem:s16], [sflag:$0x1] =	stream.strided.gather @!p0 [hbm4b:s15+s17], $0x4000, s18, s17, $0x38;
	[tilespmem:$0x10000] =	vst v63  }
0x21: {  	p0 =	sge.u32 s31, s5  }
.Ltmp2:
0x22: {  	_ = 	snop;
	(pc) =	sbr.rel @p0 .LBB1_7-.Ltmp2, $1  }
0x23: {  	_ =	sdelay $0x3  }
0x24: {  	_ =	swait.ge [sflag:s4], $0x4000;
	s15 =	sshll.u32 s12, $0xE  }
0x25: {  	[sflag:s4] =	ssyncset.done $0x0;
	s16 =	sand.u32 $0x4000, s15  }
0x26: {  	s17 =	simm.s32 $0x0;
	[sflag:s4] =	ssyncadd.s32 $0xFFFFC000;
	s15 =	sor.u32 $0x8000, s16  }
.LBB1_3:
0x27: {  	s18 =	sshll.u32 s17, $0x8  }
0x28: {  	s18 =	sand.u32 $0x3FFFFF00, s18  }
0x29: {  	s19 =	sshll.u32 s17, $0x7;
	s18 =	sadd.s32 s18, s16  }
0x2a: {  	s19 =	sand.u32 $0x3FFFFF80, s19;
	v0 =	vmov s18  }
0x2b: {  	s19 =	sadd.s32 s19, s15  }
0x2c: {  	p0 =	por $0x1, $0x1;
	v1 =	vmov s19;
	s18 =	simm.s32 $0x0  }
.LBB1_4:
0x2d: {  	s19 =	sshll.u32 s18, $0x7  }
0x2e: {  	s19 =	sand.u32 $0x3FFFFF80, s19  }
0x2f: {  	v2 =	vld.idx.msk [tilespmem:v0+s19+$0x0 ss:$0x1], $0xffff  }
0x30: {  	v3 =	vld.idx.msk [tilespmem:v0+s19+$0x10 ss:$0x1], $0xffff  }
0x31: {  	v4 =	vld.idx.msk [tilespmem:v0+s19+$0x20 ss:$0x1], $0xffff  }
0x32: {  	s31 =	sshll.u32 s18, $0xD;
	v5 =	vld.idx.msk [tilespmem:v0+s19+$0x30 ss:$0x1], $0xffff  }
0x33: {  	s18 =	sand.u32 $0x3FFFE000, s31;
	v6 =	vld.idx.msk [tilespmem:v0+s19+$0x40 ss:$0x1], $0xffff  }
0x34: {  	v63 =	vld.idx.msk [tilespmem:v0+s19+$0x70 ss:$0x1], $0xffff;
	[tilespmem:v1+s18+$0x0 ss:$0x1] =	vst.idx.msk $0xffff, v2  }
0x35: {  	v2 =	vld.idx.msk [tilespmem:v0+s19+$0x50 ss:$0x1], $0xffff;
	[tilespmem:v1+s18+$0x10 ss:$0x1] =	vst.idx.msk $0xffff, v3  }
0x36: {  	p1 =	por p0, p0;
	v3 =	vld.idx.msk [tilespmem:v0+s19+$0x60 ss:$0x1], $0xffff;
	[tilespmem:v1+s18+$0x20 ss:$0x1] =	vst.idx.msk $0xffff, v4  }
.Ltmp3:
0x37: {  	[tilespmem:v1+s18+$0x30 ss:$0x1] =	vst.idx.msk $0xffff, v5;
	(pc) =	sbr.rel @p1 .LBB1_4-.Ltmp3, $4  }
0x38: {  	[tilespmem:v1+s18+$0x40 ss:$0x1] =	vst.idx.msk $0xffff, v6  }
0x39: {  	[tilespmem:v1+s18+$0x70 ss:$0x1] =	vst.idx.msk $0xffff, v63  }
0x3a: {  	[tilespmem:v1+s18+$0x50 ss:$0x1] =	vst.idx.msk $0xffff, v2  }
0x3b: {  	p0 =	por $0x0, $0x0;
	[tilespmem:v1+s18+$0x60 ss:$0x1] =	vst.idx.msk $0xffff, v3;
	s18 =	simm.s32 $0x1  }
0x3c: {  	s17 =	sadd.s32 $0x1, s17  }
0x3d: {  	p0 =	sne.s32 s17, $0x40  }
.Ltmp4:
0x3e: {  	_ = 	snop;
	(pc) =	sbr.rel @p0 .LBB1_3-.Ltmp4, $1  }
0x3f: {  	_ =	sdelay $0x3  }
.Ltmp5:
0x40: {  	s14 =	sshll.u32 s14, $0x4;
	(pc) =	sbr.rel .LBB1_7-.Ltmp5, $4  }
0x41: {  	s14 =	sand.u32 $0xFFF0, s14  }
0x42: {  	s13 =	sshll.u32 s13, $0x10;
	s14 =	sadd.s32 s3, s14  }
0x43: {  	s13 =	sadd.s32 s13, s14  }
0x44: {  	[hbm4b:s13+s8] =	stream.strided.scatter [tilespmem:s15], [sflag:$0x2], $0x4000, s9, s8, $0x38;
	[tilespmem:$0x10000] =	vst v63  }
.LBB1_8:
0x45: {  	_ =	sfence.sel $0x180000  }
0x46: {  	s2 =	simm.s32 $0x1;
	[bflag:$0x0] =	sbarrier.arrive $0xFFFF  }
0x47: {  	s31 =	simm.s32 $0x2;
	[sflag:s2] =	ssyncpa.u1 $0x1  }
0x48: {  	[sflag:s31] =	ssyncpa.u1 $0x1  }
0x49: {  	p0 =	sne.s32 s0, $0x0;
	_ =	strace $0x9000004A  }
0x4a: {  	s0 =	sadd.s32 @!p0 $0x100000, s1;
	[bflag:$0x2] =	sbarrier.arrive $0xFFFF  }
0x4b: {  	[sflag:s0] =	ssyncadd.tile.s32 @!p0 $0x1;
	_ =	shalt  }
.Lfunc_end1:
_tile_overlayer_lowered:
.L_overlay_start_2:
0x4c: {  	(tag) =	ssettag $0x2  }
0x4d: {  	s0 =	rddreg [dreg:$0x0];
	s2 =	stileid.u32  }
0x4e: {  	s1 =	rddreg [dreg:$0x1];
	p0 =	sne.s32 s2, $0x0  }
0x4f: {  	s3 =	rddreg [dreg:$0x2];
	[bflag:$0x3] =	sbarrier.arrive $0xFFFF;
	s2 =	simm.s32 @!p0 $0x1C01  }
0x50: {  	[timem:s3], [sflag:s2] =	dma.local @!p0 [hbm:s0], s1  }
0x51: {  	s0 =	simm.s32 @!p0 $0x1  }
0x52: {  	_ =	swait.ge @!p0 [sflag:s0], s1  }
0x53: {  	s1 =	ssub.s32 @!p0 $0x0, s1;
	[sflag:s0] =	ssyncset.done @!p0 $0x0  }
0x54: {  	[sflag:s0] =	ssyncadd.s32 @!p0 s1  }
0x55: {  	[bflag:$0x3] =	sbarrier.arrive $0xFFFF  }
0x56: {  	_ =	shalt  }

</sc_bundles>
